<compile_context>
chip_gen: v7x
topology: tpu7x:2x2x1
jax: 0.10.2.dev20260603
libtpu: 0.0.44.dev20260713+nightly
codegen_flags: <defaults>
</compile_context>

<pallas_src>
import functools

import jax
import jax.numpy as jnp
from jax import lax
from jax.experimental import pallas as pl
from jax.experimental.pallas import tpu as pltpu
from jax.experimental.pallas import tpu_sc as plsc

N = 10000
E = 320000
D = 128

NC = 2
NS = 16
NW = NC * NS

C = 128
CHT = 157
CH0 = 68
CH1 = CHT - CH0
CHM = max(CH0, CH1)
E_PAD = NS * CHT * C
NP = 10240
RPT = NP // NS


def _sc_agg_body(h_hbm, src_hbm, dst_hbm, z2_hbm, z1_hbm,
                 pout_hbm, cout_hbm,
                 src_v, dst_v, rows_v, ones_v, sem, agg_sh, cnt_sh):
    c = lax.axis_index("c")
    s = lax.axis_index("s")
    wid = s * NC + c
    row0 = s * RPT

    pltpu.sync_copy(z2_hbm.at[pl.ds(row0, RPT)], agg_sh.at[pl.ds(row0, RPT)])
    pltpu.sync_copy(z1_hbm.at[pl.ds(row0, RPT)], cnt_sh.at[pl.ds(row0, RPT)])

    pltpu.sync_copy(src_hbm.at[wid], src_v)
    pltpu.sync_copy(dst_hbm.at[wid], dst_v)

    def fill_ones(j, carry):
        ones_v[pl.ds(j * 16, 16)] = jnp.ones((16,), jnp.float32)
        return carry
    lax.fori_loop(0, C // 16, fill_ones, 0)

    plsc.subcore_barrier()

    nch = jnp.where(c == 0, CH0, CH1)

    def edge_chunk(j, carry):
        pltpu.async_copy(h_hbm.at[src_v.at[j]], rows_v, sem).wait()
        pltpu.sync_copy(rows_v, agg_sh.at[dst_v.at[j]], add=True)
        pltpu.sync_copy(ones_v, cnt_sh.at[dst_v.at[j]], add=True)
        return carry
    lax.fori_loop(0, nch, edge_chunk, 0)

    plsc.subcore_barrier()

    pltpu.sync_copy(agg_sh.at[pl.ds(row0, RPT)], pout_hbm.at[c, pl.ds(row0, RPT)])
    pltpu.sync_copy(cnt_sh.at[pl.ds(row0, RPT)], cout_hbm.at[c, pl.ds(row0, RPT)])


@jax.jit
def _sc_agg(h, src3, dst3, z2, z1):
    mesh = plsc.VectorSubcoreMesh(core_axis_name="c", subcore_axis_name="s")
    f = pl.kernel(
        _sc_agg_body,
        out_type=(
            jax.ShapeDtypeStruct((NC, NP, D), jnp.float32),
            jax.ShapeDtypeStruct((NC, NP), jnp.float32),
        ),
        mesh=mesh,
        scratch_types=[
            pltpu.VMEM((CHM, C), jnp.int32),
            pltpu.VMEM((CHM, C), jnp.int32),
            pltpu.VMEM((C, D), jnp.float32),
            pltpu.VMEM((C,), jnp.float32),
            pltpu.SemaphoreType.DMA,
            pltpu.VMEM_SHARED((NP, D), jnp.float32),
            pltpu.VMEM_SHARED((NP,), jnp.float32),
        ],
    )
    return f(h, src3, dst3, z2, z1)


def _tc_dense_body(relu, p_ref, c_ref, h_ref, wl_ref, bl_ref, wr_ref, o_ref):
    agg = p_ref[0] + p_ref[1]
    cnt = c_ref[0] + c_ref[1]
    mean = agg * (1.0 / jnp.maximum(cnt, 1.0))[:, None]
    y = (jnp.dot(mean, wl_ref[...], preferred_element_type=jnp.float32)
         + bl_ref[...]
         + jnp.dot(h_ref[...], wr_ref[...], preferred_element_type=jnp.float32))
    if relu:
        y = jnp.maximum(y, 0.0)
    o_ref[...] = y


@functools.partial(jax.jit, static_argnames=("relu",))
def _tc_dense(p, cnt, h, wl, bl, wr, relu):
    B = 5120
    grid = (NP // B,)
    return pl.pallas_call(
        functools.partial(_tc_dense_body, relu),
        grid=grid,
        in_specs=[
            pl.BlockSpec((NC, B, D), lambda i: (0, i, 0)),
            pl.BlockSpec((NC, B), lambda i: (0, i)),
            pl.BlockSpec((B, D), lambda i: (i, 0)),
            pl.BlockSpec((D, D), lambda i: (0, 0)),
            pl.BlockSpec((1, D), lambda i: (0, 0)),
            pl.BlockSpec((D, D), lambda i: (0, 0)),
        ],
        out_specs=pl.BlockSpec((B, D), lambda i: (i, 0)),
        out_shape=jax.ShapeDtypeStruct((NP, D), jnp.float32),
    )(p, cnt, h, wl, bl, wr)


def kernel(x, edge_index, Wl1, bl1, Wr1, Wl2, bl2, Wr2, Wl3, bl3, Wr3):
    src = edge_index[0]
    dst = edge_index[1]

    def layout(v, fill):
        flat = jnp.concatenate([v, jnp.full((E_PAD - E,), fill, jnp.int32)])
        ch = flat.reshape(NS * CHT, C)
        a = jnp.pad(ch[:NS * CH0].reshape(NS, CH0, C),
                    ((0, 0), (0, CHM - CH0), (0, 0)), constant_values=fill)
        b = ch[NS * CH0:].reshape(NS, CH1, C)
        return jnp.stack([a, b], axis=1).reshape(NW, CHM, C)

    src3 = layout(src, 0)
    dst3 = layout(dst, N)
    z2 = jnp.zeros((NP, D), jnp.float32)
    z1 = jnp.zeros((NP,), jnp.float32)

    h = jnp.pad(x, ((0, NP - N), (0, 0)))
    for Wl, bl, Wr, relu in (
        (Wl1, bl1, Wr1, True),
        (Wl2, bl2, Wr2, True),
        (Wl3, bl3, Wr3, False),
    ):
        p, cnt = _sc_agg(h, src3, dst3, z2, z1)
        h = _tc_dense(p, cnt, h, Wl, bl.reshape(1, D), Wr, relu)
    return h[:N]

# --- scband reference (transcript-rebuilt; emitter-appended) ---
"""Pipeline reference for scband-mini-batch-graph-sage-59734405152779 (READ-ONLY COPY).

The authoritative reference and input builder live on the scoring server;
editing this copy changes nothing except your own understanding.
"""

import jax, jax.numpy as jnp
import numpy as np

N = 10000
E = 320000
D_IN = 128
D_HID = 128
D_OUT = 128


def setup_inputs(seed: int = 0) -> dict:
    key = jax.random.key(seed)
    ks = jax.random.split(key, 12)
    x = jax.random.normal(ks[0], (N, D_IN), dtype=jnp.float32)
    edge_index = jax.random.randint(ks[1], (2, E), 0, N, dtype=jnp.int32)
    s1 = 1.0 / np.sqrt(D_IN)
    s2 = 1.0 / np.sqrt(D_HID)
    inp = {
        'x': x,
        'edge_index': edge_index,
        'Wl1': jax.random.uniform(ks[2], (D_IN, D_HID), jnp.float32, -s1, s1),
        'bl1': jnp.zeros((D_HID,), jnp.float32),
        'Wr1': jax.random.uniform(ks[3], (D_IN, D_HID), jnp.float32, -s1, s1),
        'Wl2': jax.random.uniform(ks[4], (D_HID, D_HID), jnp.float32, -s2, s2),
        'bl2': jnp.zeros((D_HID,), jnp.float32),
        'Wr2': jax.random.uniform(ks[5], (D_HID, D_HID), jnp.float32, -s2, s2),
        'Wl3': jax.random.uniform(ks[6], (D_HID, D_OUT), jnp.float32, -s2, s2),
        'bl3': jnp.zeros((D_OUT,), jnp.float32),
        'Wr3': jax.random.uniform(ks[7], (D_HID, D_OUT), jnp.float32, -s2, s2),
    }
    return inp


def _sage_conv(x, edge_index, Wl, bl, Wr):
    # PyG SAGEConv (mean aggr): out = lin_l(mean_{j in N(i)} x_j) + lin_r(x_i)
    src = edge_index[0]
    dst = edge_index[1]
    msg = x[src]                                   # gather: [E, d]
    agg = jax.ops.segment_sum(msg, dst, num_segments=N)
    cnt = jax.ops.segment_sum(jnp.ones((edge_index.shape[1],), x.dtype), dst, num_segments=N)
    mean = agg / jnp.clip(cnt, 1.0)[:, None]
    return mean @ Wl + bl + x @ Wr


def reference(x, edge_index, Wl1, bl1, Wr1, Wl2, bl2, Wr2, Wl3, bl3, Wr3):
    # layer 1 + relu (dropout is identity in eval mode)
    h = jax.nn.relu(_sage_conv(x, edge_index, Wl1, bl1, Wr1))
    # layer 2 + relu
    h = jax.nn.relu(_sage_conv(h, edge_index, Wl2, bl2, Wr2))
    # final layer, no activation
    out = _sage_conv(h, edge_index, Wl3, bl3, Wr3)
    return out

if __name__ == "__main__":
    import jax
    _d = setup_inputs()
    print(jax.jit(kernel)(*tuple(_d.values())))

</pallas_src>

<mosaic_0001>
#map = affine_map<(d0, d1) -> (0, 0)>
#map1 = affine_map<(d0, d1) -> (0, 0, 0)>
#map2 = affine_map<(d0, d1) -> (0)>
module attributes {stable_mosaic.version = 14 : i64} {
  func.func @_sc_agg_body(%arg0: i32, %arg1: i32, %arg2: memref<10240x128xf32, #tpu.memory_space<hbm>>, %arg3: memref<32x89x128xi32, #tpu.memory_space<hbm>>, %arg4: memref<32x89x128xi32, #tpu.memory_space<hbm>>, %arg5: memref<10240x128xf32, #tpu.memory_space<hbm>>, %arg6: memref<10240xf32, #tpu.memory_space<hbm>>, %arg7: memref<2x10240x128xf32, #tpu.memory_space<hbm>>, %arg8: memref<2x10240xf32, #tpu.memory_space<hbm>>, %arg9: memref<89x128xi32, #tpu.memory_space<vmem>>, %arg10: memref<89x128xi32, #tpu.memory_space<vmem>>, %arg11: memref<128x128xf32, #tpu.memory_space<vmem>>, %arg12: memref<128xf32, #tpu.memory_space<vmem>>, %arg13: memref<!tpu.dma_semaphore, #tpu.memory_space<semaphore_mem>>, %arg14: memref<10240x128xf32, #tpu.memory_space<vmem_shared>>, %arg15: memref<10240xf32, #tpu.memory_space<vmem_shared>>) attributes {dimension_semantics = [#tpu.dimension_semantics<core_parallel>, #tpu.dimension_semantics<subcore_parallel>], iteration_bounds = array<i64: 2, 16>, scalar_prefetch = 0 : i64, scratch_operands = 7 : i64, tpu.core_type = #tpu.core_type<sc_vector_subcore>, window_params = [{transform_indices = #map}, {transform_indices = #map1}, {transform_indices = #map1}, {transform_indices = #map}, {transform_indices = #map2}, {transform_indices = #map1}, {transform_indices = #map}]} {
    %mul3A = arith.constant 2 : i32
    %mul3A_0 = arith.muli %arg1, %mul3A : i32
    %add3A = arith.addi %mul3A_0, %arg0 : i32
    %mul3A_1 = arith.constant 640 : i32
    %mul3A_2 = arith.muli %arg1, %mul3A_1 : i32
    "tpu.region"() ({
      %run_scoped3A = tpu.sem_alloc : memref<!tpu.dma_semaphore, #tpu.memory_space<semaphore_mem>>
      %dma_start3A = arith.constant 0 : i32
      %dma_start3A_20 = tpu.memref_slice %arg14[%mul3A_2, %dma_start3A] : memref<10240x128xf32, #tpu.memory_space<vmem_shared>> -> memref<640x128xf32, #tpu.memory_space<vmem_shared>>
      %dma_start3A_21 = arith.constant 0 : i32
      %dma_start3A_22 = tpu.memref_slice %arg5[%mul3A_2, %dma_start3A_21] : memref<10240x128xf32, #tpu.memory_space<hbm>> -> memref<640x128xf32, #tpu.memory_space<hbm>>
      tpu.enqueue_dma source(%dma_start3A_22 : memref<640x128xf32, #tpu.memory_space<hbm>>) target(%dma_start3A_20 : memref<640x128xf32, #tpu.memory_space<vmem_shared>>) target_semaphore(%run_scoped3A : memref<!tpu.dma_semaphore, #tpu.memory_space<semaphore_mem>>)
      %dma_wait3A = arith.constant 0 : i32
      %dma_wait3A_23 = tpu.memref_slice %arg14[%mul3A_2, %dma_wait3A] : memref<10240x128xf32, #tpu.memory_space<vmem_shared>> -> memref<640x128xf32, #tpu.memory_space<vmem_shared>>
      %dma_wait3A_24 = arith.constant 0 : i32
      %dma_wait3A_25 = tpu.memref_slice %arg5[%mul3A_2, %dma_wait3A_24] : memref<10240x128xf32, #tpu.memory_space<hbm>> -> memref<640x128xf32, #tpu.memory_space<hbm>>
      tpu.wait_dma2 semaphore(%run_scoped3A : memref<!tpu.dma_semaphore, #tpu.memory_space<semaphore_mem>>) src(%dma_wait3A_25 : memref<640x128xf32, #tpu.memory_space<hbm>>) dst(%dma_wait3A_23 : memref<640x128xf32, #tpu.memory_space<vmem_shared>>)
      tpu.yield
    }) : () -> ()
    "tpu.region"() ({
      %run_scoped3A = tpu.sem_alloc : memref<!tpu.dma_semaphore, #tpu.memory_space<semaphore_mem>>
      %dma_start3A = tpu.memref_slice %arg15[%mul3A_2] : memref<10240xf32, #tpu.memory_space<vmem_shared>> -> memref<640xf32, #tpu.memory_space<vmem_shared>>
      %dma_start3A_20 = tpu.memref_slice %arg6[%mul3A_2] : memref<10240xf32, #tpu.memory_space<hbm>> -> memref<640xf32, #tpu.memory_space<hbm>>
      tpu.enqueue_dma source(%dma_start3A_20 : memref<640xf32, #tpu.memory_space<hbm>>) target(%dma_start3A : memref<640xf32, #tpu.memory_space<vmem_shared>>) target_semaphore(%run_scoped3A : memref<!tpu.dma_semaphore, #tpu.memory_space<semaphore_mem>>)
      %dma_wait3A = tpu.memref_slice %arg15[%mul3A_2] : memref<10240xf32, #tpu.memory_space<vmem_shared>> -> memref<640xf32, #tpu.memory_space<vmem_shared>>
      %dma_wait3A_21 = tpu.memref_slice %arg6[%mul3A_2] : memref<10240xf32, #tpu.memory_space<hbm>> -> memref<640xf32, #tpu.memory_space<hbm>>
      tpu.wait_dma2 semaphore(%run_scoped3A : memref<!tpu.dma_semaphore, #tpu.memory_space<semaphore_mem>>) src(%dma_wait3A_21 : memref<640xf32, #tpu.memory_space<hbm>>) dst(%dma_wait3A : memref<640xf32, #tpu.memory_space<vmem_shared>>)
      tpu.yield
    }) : () -> ()
    "tpu.region"() ({
      %run_scoped3A = tpu.sem_alloc : memref<!tpu.dma_semaphore, #tpu.memory_space<semaphore_mem>>
      %dma_start3A = arith.constant 0 : i32
      %dma_start3A_20 = arith.constant 0 : i32
      %dma_start3A_21 = tpu.memref_slice %arg3[%add3A, %dma_start3A, %dma_start3A_20] : memref<32x89x128xi32, #tpu.memory_space<hbm>> -> memref<1x89x128xi32, #tpu.memory_space<hbm>>
      %dma_start3A_22 = tpu.memref_squeeze %dma_start3A_21 : memref<1x89x128xi32, #tpu.memory_space<hbm>> -> memref<89x128xi32, #tpu.memory_space<hbm>>
      %dma_start3A_23 = arith.constant 0 : i32
      %dma_start3A_24 = arith.constant 0 : i32
      %dma_start3A_25 = tpu.memref_slice %arg3[%add3A, %dma_start3A_23, %dma_start3A_24] : memref<32x89x128xi32, #tpu.memory_space<hbm>> -> memref<1x89x128xi32, #tpu.memory_space<hbm>>
      %dma_start3A_26 = tpu.memref_squeeze %dma_start3A_25 : memref<1x89x128xi32, #tpu.memory_space<hbm>> -> memref<89x128xi32, #tpu.memory_space<hbm>>
      tpu.enqueue_dma source(%dma_start3A_26 : memref<89x128xi32, #tpu.memory_space<hbm>>) target(%arg9 : memref<89x128xi32, #tpu.memory_space<vmem>>) target_semaphore(%run_scoped3A : memref<!tpu.dma_semaphore, #tpu.memory_space<semaphore_mem>>)
      %dma_wait3A = arith.constant 0 : i32
      %dma_wait3A_27 = arith.constant 0 : i32
      %dma_wait3A_28 = tpu.memref_slice %arg3[%add3A, %dma_wait3A, %dma_wait3A_27] : memref<32x89x128xi32, #tpu.memory_space<hbm>> -> memref<1x89x128xi32, #tpu.memory_space<hbm>>
      %dma_wait3A_29 = tpu.memref_squeeze %dma_wait3A_28 : memref<1x89x128xi32, #tpu.memory_space<hbm>> -> memref<89x128xi32, #tpu.memory_space<hbm>>
      %dma_wait3A_30 = arith.constant 0 : i32
      %dma_wait3A_31 = arith.constant 0 : i32
      %dma_wait3A_32 = tpu.memref_slice %arg3[%add3A, %dma_wait3A_30, %dma_wait3A_31] : memref<32x89x128xi32, #tpu.memory_space<hbm>> -> memref<1x89x128xi32, #tpu.memory_space<hbm>>
      %dma_wait3A_33 = tpu.memref_squeeze %dma_wait3A_32 : memref<1x89x128xi32, #tpu.memory_space<hbm>> -> memref<89x128xi32, #tpu.memory_space<hbm>>
      tpu.wait_dma2 semaphore(%run_scoped3A : memref<!tpu.dma_semaphore, #tpu.memory_space<semaphore_mem>>) src(%dma_wait3A_33 : memref<89x128xi32, #tpu.memory_space<hbm>>) dst(%arg9 : memref<89x128xi32, #tpu.memory_space<vmem>>)
      tpu.yield
    }) : () -> ()
    "tpu.region"() ({
      %run_scoped3A = tpu.sem_alloc : memref<!tpu.dma_semaphore, #tpu.memory_space<semaphore_mem>>
      %dma_start3A = arith.constant 0 : i32
      %dma_start3A_20 = arith.constant 0 : i32
      %dma_start3A_21 = tpu.memref_slice %arg4[%add3A, %dma_start3A, %dma_start3A_20] : memref<32x89x128xi32, #tpu.memory_space<hbm>> -> memref<1x89x128xi32, #tpu.memory_space<hbm>>
      %dma_start3A_22 = tpu.memref_squeeze %dma_start3A_21 : memref<1x89x128xi32, #tpu.memory_space<hbm>> -> memref<89x128xi32, #tpu.memory_space<hbm>>
      %dma_start3A_23 = arith.constant 0 : i32
      %dma_start3A_24 = arith.constant 0 : i32
      %dma_start3A_25 = tpu.memref_slice %arg4[%add3A, %dma_start3A_23, %dma_start3A_24] : memref<32x89x128xi32, #tpu.memory_space<hbm>> -> memref<1x89x128xi32, #tpu.memory_space<hbm>>
      %dma_start3A_26 = tpu.memref_squeeze %dma_start3A_25 : memref<1x89x128xi32, #tpu.memory_space<hbm>> -> memref<89x128xi32, #tpu.memory_space<hbm>>
      tpu.enqueue_dma source(%dma_start3A_26 : memref<89x128xi32, #tpu.memory_space<hbm>>) target(%arg10 : memref<89x128xi32, #tpu.memory_space<vmem>>) target_semaphore(%run_scoped3A : memref<!tpu.dma_semaphore, #tpu.memory_space<semaphore_mem>>)
      %dma_wait3A = arith.constant 0 : i32
      %dma_wait3A_27 = arith.constant 0 : i32
      %dma_wait3A_28 = tpu.memref_slice %arg4[%add3A, %dma_wait3A, %dma_wait3A_27] : memref<32x89x128xi32, #tpu.memory_space<hbm>> -> memref<1x89x128xi32, #tpu.memory_space<hbm>>
      %dma_wait3A_29 = tpu.memref_squeeze %dma_wait3A_28 : memref<1x89x128xi32, #tpu.memory_space<hbm>> -> memref<89x128xi32, #tpu.memory_space<hbm>>
      %dma_wait3A_30 = arith.constant 0 : i32
      %dma_wait3A_31 = arith.constant 0 : i32
      %dma_wait3A_32 = tpu.memref_slice %arg4[%add3A, %dma_wait3A_30, %dma_wait3A_31] : memref<32x89x128xi32, #tpu.memory_space<hbm>> -> memref<1x89x128xi32, #tpu.memory_space<hbm>>
      %dma_wait3A_33 = tpu.memref_squeeze %dma_wait3A_32 : memref<1x89x128xi32, #tpu.memory_space<hbm>> -> memref<89x128xi32, #tpu.memory_space<hbm>>
      tpu.wait_dma2 semaphore(%run_scoped3A : memref<!tpu.dma_semaphore, #tpu.memory_space<semaphore_mem>>) src(%dma_wait3A_33 : memref<89x128xi32, #tpu.memory_space<hbm>>) dst(%arg10 : memref<89x128xi32, #tpu.memory_space<vmem>>)
      tpu.yield
    }) : () -> ()
    %scan3A = arith.constant 0 : i32
    %scan3A_3 = arith.constant 0 : i32
    %scan3A_4 = arith.constant 8 : i32
    %scan3A_5 = arith.addi %scan3A_3, %scan3A_4 : i32
    %scan3A_6 = arith.constant 1 : i32
    scf.for %scan3A_20 = %scan3A_3 to %scan3A_5 step %scan3A_6  : i32 {
      %broadcast_in_dim3A = arith.constant 1.000000e+00 : f32
      %broadcast_in_dim3A_21 = vector.broadcast %broadcast_in_dim3A : f32 to vector<16xf32>
      %mul3A_22 = arith.constant 16 : i32
      %mul3A_23 = arith.muli %scan3A_20, %mul3A_22 : i32
      %swap3A = arith.index_cast %mul3A_23 : i32 to index
      %swap3A_24 = tpu.vector_load %arg12[%swap3A] {strides = array<i32>} : memref<128xf32, #tpu.memory_space<vmem>>, vector<16xf32>,
      %swap3A_25 = vector.shape_cast %swap3A_24 : vector<16xf32> to vector<16xf32>
      %swap3A_26 = vector.shape_cast %broadcast_in_dim3A_21 : vector<16xf32> to vector<16xf32>
      tpu.vector_store %arg12[%swap3A], %swap3A_26 {strides = array<i32>} : memref<128xf32, #tpu.memory_space<vmem>>, vector<16xf32>,
    }
    %scan3A_7 = arith.constant 8 : i32
    %barrier3A = arith.constant 0 : index
    tpu.barrier barrier_id(%barrier3A)
    %eq3A = arith.constant 0 : i32
    %eq3A_8 = arith.cmpi eq, %arg0, %eq3A : i32
    %jit3A = arith.constant 68 : i32
    %jit3A_9 = arith.constant 89 : i32
    %select_n3A = arith.select %eq3A_8, %jit3A, %jit3A_9 : i32
    %while3A = arith.constant 0 : i32
    %while3A_10 = arith.constant 0 : i32
    %while3A_11 = arith.subi %select_n3A, %while3A_10 : i32
    %while3A_12 = arith.addi %while3A_10, %while3A_11 : i32
    %while3A_13 = arith.constant 1 : i32
    %while3A_14 = arith.divsi %while3A_11, %while3A_13 : i32
    %while3A_15 = arith.muli %while3A_14, %while3A_13 : i32
    %while3A_16 = arith.addi %while3A_10, %while3A_15 : i32
    %while3A_17 = arith.constant 1 : i32
    scf.for %while3A_20 = %while3A_10 to %while3A_16 step %while3A_17  : i32 {
      %dma_start3A = arith.constant 0 : i32
      %dma_start3A_21 = tpu.memref_slice %arg9[%while3A_20, %dma_start3A] : memref<89x128xi32, #tpu.memory_space<vmem>> -> memref<1x128xi32, #tpu.memory_space<vmem>>
      %dma_start3A_22 = tpu.memref_squeeze %dma_start3A_21 : memref<1x128xi32, #tpu.memory_space<vmem>> -> memref<128xi32, #tpu.memory_space<vmem>>
      %dma_start3A_23 = arith.constant 0 : i32
      %dma_start3A_24 = arith.constant 0 : i32
      %dma_start3A_25 = tpu.memref_slice %arg2[%dma_start3A_23, %dma_start3A_24] : memref<10240x128xf32, #tpu.memory_space<hbm>> -> memref<10240x128xf32, #tpu.memory_space<hbm>>
      tpu.enqueue_indirect_dma source(%dma_start3A_25 : memref<10240x128xf32, #tpu.memory_space<hbm>>) target(%arg11 : memref<128x128xf32, #tpu.memory_space<vmem>>) offsets(%dma_start3A_22 : memref<128xi32, #tpu.memory_space<vmem>>) semaphore(%arg13 : memref<!tpu.dma_semaphore, #tpu.memory_space<semaphore_mem>>)
      %dma_wait3A = arith.constant 0 : i32
      %dma_wait3A_26 = tpu.memref_slice %arg9[%while3A_20, %dma_wait3A] : memref<89x128xi32, #tpu.memory_space<vmem>> -> memref<1x128xi32, #tpu.memory_space<vmem>>
      %dma_wait3A_27 = tpu.memref_squeeze %dma_wait3A_26 : memref<1x128xi32, #tpu.memory_space<vmem>> -> memref<128xi32, #tpu.memory_space<vmem>>
      %dma_wait3A_28 = arith.constant 0 : i32
      %dma_wait3A_29 = arith.constant 0 : i32
      %dma_wait3A_30 = tpu.memref_slice %arg2[%dma_wait3A_28, %dma_wait3A_29] : memref<10240x128xf32, #tpu.memory_space<hbm>> -> memref<10240x128xf32, #tpu.memory_space<hbm>>
      tpu.wait_indirect_dma semaphore(%arg13 : memref<!tpu.dma_semaphore, #tpu.memory_space<semaphore_mem>>) src(%dma_wait3A_30 : memref<10240x128xf32, #tpu.memory_space<hbm>>) dst(%arg11 : memref<128x128xf32, #tpu.memory_space<vmem>>)
      "tpu.region"() ({
        %run_scoped3A = tpu.sem_alloc : memref<!tpu.dma_semaphore, #tpu.memory_space<semaphore_mem>>
        %dma_start3A_31 = arith.constant 0 : i32
        %dma_start3A_32 = tpu.memref_slice %arg10[%while3A_20, %dma_start3A_31] : memref<89x128xi32, #tpu.memory_space<vmem>> -> memref<1x128xi32, #tpu.memory_space<vmem>>
        %dma_start3A_33 = tpu.memref_squeeze %dma_start3A_32 : memref<1x128xi32, #tpu.memory_space<vmem>> -> memref<128xi32, #tpu.memory_space<vmem>>
        %dma_start3A_34 = arith.constant 0 : i32
        %dma_start3A_35 = arith.constant 0 : i32
        %dma_start3A_36 = tpu.memref_slice %arg14[%dma_start3A_34, %dma_start3A_35] : memref<10240x128xf32, #tpu.memory_space<vmem_shared>> -> memref<10240x128xf32, #tpu.memory_space<vmem_shared>>
        tpu.enqueue_indirect_dma source(%arg11 : memref<128x128xf32, #tpu.memory_space<vmem>>) target(%dma_start3A_36 : memref<10240x128xf32, #tpu.memory_space<vmem_shared>>) offsets(%dma_start3A_33 : memref<128xi32, #tpu.memory_space<vmem>>) semaphore(%run_scoped3A : memref<!tpu.dma_semaphore, #tpu.memory_space<semaphore_mem>>) {add = true}
        %dma_wait3A_37 = arith.constant 0 : i32
        %dma_wait3A_38 = tpu.memref_slice %arg10[%while3A_20, %dma_wait3A_37] : memref<89x128xi32, #tpu.memory_space<vmem>> -> memref<1x128xi32, #tpu.memory_space<vmem>>
        %dma_wait3A_39 = tpu.memref_squeeze %dma_wait3A_38 : memref<1x128xi32, #tpu.memory_space<vmem>> -> memref<128xi32, #tpu.memory_space<vmem>>
        %dma_wait3A_40 = arith.constant 0 : i32
        %dma_wait3A_41 = arith.constant 0 : i32
        %dma_wait3A_42 = tpu.memref_slice %arg14[%dma_wait3A_40, %dma_wait3A_41] : memref<10240x128xf32, #tpu.memory_space<vmem_shared>> -> memref<10240x128xf32, #tpu.memory_space<vmem_shared>>
        tpu.wait_indirect_dma semaphore(%run_scoped3A : memref<!tpu.dma_semaphore, #tpu.memory_space<semaphore_mem>>) src(%arg11 : memref<128x128xf32, #tpu.memory_space<vmem>>) dst(%dma_wait3A_42 : memref<10240x128xf32, #tpu.memory_space<vmem_shared>>)
        tpu.yield
      }) : () -> ()
      "tpu.region"() ({
        %run_scoped3A = tpu.sem_alloc : memref<!tpu.dma_semaphore, #tpu.memory_space<semaphore_mem>>
        %dma_start3A_31 = arith.constant 0 : i32
        %dma_start3A_32 = tpu.memref_slice %arg10[%while3A_20, %dma_start3A_31] : memref<89x128xi32, #tpu.memory_space<vmem>> -> memref<1x128xi32, #tpu.memory_space<vmem>>
        %dma_start3A_33 = tpu.memref_squeeze %dma_start3A_32 : memref<1x128xi32, #tpu.memory_space<vmem>> -> memref<128xi32, #tpu.memory_space<vmem>>
        %dma_start3A_34 = arith.constant 0 : i32
        %dma_start3A_35 = tpu.memref_slice %arg15[%dma_start3A_34] : memref<10240xf32, #tpu.memory_space<vmem_shared>> -> memref<10240xf32, #tpu.memory_space<vmem_shared>>
        tpu.enqueue_indirect_dma source(%arg12 : memref<128xf32, #tpu.memory_space<vmem>>) target(%dma_start3A_35 : memref<10240xf32, #tpu.memory_space<vmem_shared>>) offsets(%dma_start3A_33 : memref<128xi32, #tpu.memory_space<vmem>>) semaphore(%run_scoped3A : memref<!tpu.dma_semaphore, #tpu.memory_space<semaphore_mem>>) {add = true}
        %dma_wait3A_36 = arith.constant 0 : i32
        %dma_wait3A_37 = tpu.memref_slice %arg10[%while3A_20, %dma_wait3A_36] : memref<89x128xi32, #tpu.memory_space<vmem>> -> memref<1x128xi32, #tpu.memory_space<vmem>>
        %dma_wait3A_38 = tpu.memref_squeeze %dma_wait3A_37 : memref<1x128xi32, #tpu.memory_space<vmem>> -> memref<128xi32, #tpu.memory_space<vmem>>
        %dma_wait3A_39 = arith.constant 0 : i32
        %dma_wait3A_40 = tpu.memref_slice %arg15[%dma_wait3A_39] : memref<10240xf32, #tpu.memory_space<vmem_shared>> -> memref<10240xf32, #tpu.memory_space<vmem_shared>>
        tpu.wait_indirect_dma semaphore(%run_scoped3A : memref<!tpu.dma_semaphore, #tpu.memory_space<semaphore_mem>>) src(%arg12 : memref<128xf32, #tpu.memory_space<vmem>>) dst(%dma_wait3A_40 : memref<10240xf32, #tpu.memory_space<vmem_shared>>)
        tpu.yield
      }) : () -> ()
    }
    %while3A_18 = arith.constant 1 : i32
    scf.for %while3A_20 = %while3A_16 to %while3A_12 step %while3A_18  : i32 {
      %dma_start3A = arith.constant 0 : i32
      %dma_start3A_21 = tpu.memref_slice %arg9[%while3A_20, %dma_start3A] : memref<89x128xi32, #tpu.memory_space<vmem>> -> memref<1x128xi32, #tpu.memory_space<vmem>>
      %dma_start3A_22 = tpu.memref_squeeze %dma_start3A_21 : memref<1x128xi32, #tpu.memory_space<vmem>> -> memref<128xi32, #tpu.memory_space<vmem>>
      %dma_start3A_23 = arith.constant 0 : i32
      %dma_start3A_24 = arith.constant 0 : i32
      %dma_start3A_25 = tpu.memref_slice %arg2[%dma_start3A_23, %dma_start3A_24] : memref<10240x128xf32, #tpu.memory_space<hbm>> -> memref<10240x128xf32, #tpu.memory_space<hbm>>
      tpu.enqueue_indirect_dma source(%dma_start3A_25 : memref<10240x128xf32, #tpu.memory_space<hbm>>) target(%arg11 : memref<128x128xf32, #tpu.memory_space<vmem>>) offsets(%dma_start3A_22 : memref<128xi32, #tpu.memory_space<vmem>>) semaphore(%arg13 : memref<!tpu.dma_semaphore, #tpu.memory_space<semaphore_mem>>)
      %dma_wait3A = arith.constant 0 : i32
      %dma_wait3A_26 = tpu.memref_slice %arg9[%while3A_20, %dma_wait3A] : memref<89x128xi32, #tpu.memory_space<vmem>> -> memref<1x128xi32, #tpu.memory_space<vmem>>
      %dma_wait3A_27 = tpu.memref_squeeze %dma_wait3A_26 : memref<1x128xi32, #tpu.memory_space<vmem>> -> memref<128xi32, #tpu.memory_space<vmem>>
      %dma_wait3A_28 = arith.constant 0 : i32
      %dma_wait3A_29 = arith.constant 0 : i32
      %dma_wait3A_30 = tpu.memref_slice %arg2[%dma_wait3A_28, %dma_wait3A_29] : memref<10240x128xf32, #tpu.memory_space<hbm>> -> memref<10240x128xf32, #tpu.memory_space<hbm>>
      tpu.wait_indirect_dma semaphore(%arg13 : memref<!tpu.dma_semaphore, #tpu.memory_space<semaphore_mem>>) src(%dma_wait3A_30 : memref<10240x128xf32, #tpu.memory_space<hbm>>) dst(%arg11 : memref<128x128xf32, #tpu.memory_space<vmem>>)
      "tpu.region"() ({
        %run_scoped3A = tpu.sem_alloc : memref<!tpu.dma_semaphore, #tpu.memory_space<semaphore_mem>>
        %dma_start3A_31 = arith.constant 0 : i32
        %dma_start3A_32 = tpu.memref_slice %arg10[%while3A_20, %dma_start3A_31] : memref<89x128xi32, #tpu.memory_space<vmem>> -> memref<1x128xi32, #tpu.memory_space<vmem>>
        %dma_start3A_33 = tpu.memref_squeeze %dma_start3A_32 : memref<1x128xi32, #tpu.memory_space<vmem>> -> memref<128xi32, #tpu.memory_space<vmem>>
        %dma_start3A_34 = arith.constant 0 : i32
        %dma_start3A_35 = arith.constant 0 : i32
        %dma_start3A_36 = tpu.memref_slice %arg14[%dma_start3A_34, %dma_start3A_35] : memref<10240x128xf32, #tpu.memory_space<vmem_shared>> -> memref<10240x128xf32, #tpu.memory_space<vmem_shared>>
        tpu.enqueue_indirect_dma source(%arg11 : memref<128x128xf32, #tpu.memory_space<vmem>>) target(%dma_start3A_36 : memref<10240x128xf32, #tpu.memory_space<vmem_shared>>) offsets(%dma_start3A_33 : memref<128xi32, #tpu.memory_space<vmem>>) semaphore(%run_scoped3A : memref<!tpu.dma_semaphore, #tpu.memory_space<semaphore_mem>>) {add = true}
        %dma_wait3A_37 = arith.constant 0 : i32
        %dma_wait3A_38 = tpu.memref_slice %arg10[%while3A_20, %dma_wait3A_37] : memref<89x128xi32, #tpu.memory_space<vmem>> -> memref<1x128xi32, #tpu.memory_space<vmem>>
        %dma_wait3A_39 = tpu.memref_squeeze %dma_wait3A_38 : memref<1x128xi32, #tpu.memory_space<vmem>> -> memref<128xi32, #tpu.memory_space<vmem>>
        %dma_wait3A_40 = arith.constant 0 : i32
        %dma_wait3A_41 = arith.constant 0 : i32
        %dma_wait3A_42 = tpu.memref_slice %arg14[%dma_wait3A_40, %dma_wait3A_41] : memref<10240x128xf32, #tpu.memory_space<vmem_shared>> -> memref<10240x128xf32, #tpu.memory_space<vmem_shared>>
        tpu.wait_indirect_dma semaphore(%run_scoped3A : memref<!tpu.dma_semaphore, #tpu.memory_space<semaphore_mem>>) src(%arg11 : memref<128x128xf32, #tpu.memory_space<vmem>>) dst(%dma_wait3A_42 : memref<10240x128xf32, #tpu.memory_space<vmem_shared>>)
        tpu.yield
      }) : () -> ()
      "tpu.region"() ({
        %run_scoped3A = tpu.sem_alloc : memref<!tpu.dma_semaphore, #tpu.memory_space<semaphore_mem>>
        %dma_start3A_31 = arith.constant 0 : i32
        %dma_start3A_32 = tpu.memref_slice %arg10[%while3A_20, %dma_start3A_31] : memref<89x128xi32, #tpu.memory_space<vmem>> -> memref<1x128xi32, #tpu.memory_space<vmem>>
        %dma_start3A_33 = tpu.memref_squeeze %dma_start3A_32 : memref<1x128xi32, #tpu.memory_space<vmem>> -> memref<128xi32, #tpu.memory_space<vmem>>
        %dma_start3A_34 = arith.constant 0 : i32
        %dma_start3A_35 = tpu.memref_slice %arg15[%dma_start3A_34] : memref<10240xf32, #tpu.memory_space<vmem_shared>> -> memref<10240xf32, #tpu.memory_space<vmem_shared>>
        tpu.enqueue_indirect_dma source(%arg12 : memref<128xf32, #tpu.memory_space<vmem>>) target(%dma_start3A_35 : memref<10240xf32, #tpu.memory_space<vmem_shared>>) offsets(%dma_start3A_33 : memref<128xi32, #tpu.memory_space<vmem>>) semaphore(%run_scoped3A : memref<!tpu.dma_semaphore, #tpu.memory_space<semaphore_mem>>) {add = true}
        %dma_wait3A_36 = arith.constant 0 : i32
        %dma_wait3A_37 = tpu.memref_slice %arg10[%while3A_20, %dma_wait3A_36] : memref<89x128xi32, #tpu.memory_space<vmem>> -> memref<1x128xi32, #tpu.memory_space<vmem>>
        %dma_wait3A_38 = tpu.memref_squeeze %dma_wait3A_37 : memref<1x128xi32, #tpu.memory_space<vmem>> -> memref<128xi32, #tpu.memory_space<vmem>>
        %dma_wait3A_39 = arith.constant 0 : i32
        %dma_wait3A_40 = tpu.memref_slice %arg15[%dma_wait3A_39] : memref<10240xf32, #tpu.memory_space<vmem_shared>> -> memref<10240xf32, #tpu.memory_space<vmem_shared>>
        tpu.wait_indirect_dma semaphore(%run_scoped3A : memref<!tpu.dma_semaphore, #tpu.memory_space<semaphore_mem>>) src(%arg12 : memref<128xf32, #tpu.memory_space<vmem>>) dst(%dma_wait3A_40 : memref<10240xf32, #tpu.memory_space<vmem_shared>>)
        tpu.yield
      }) : () -> ()
    }
    %barrier3A_19 = arith.constant 0 : index
    tpu.barrier barrier_id(%barrier3A_19)
    "tpu.region"() ({
      %run_scoped3A = tpu.sem_alloc : memref<!tpu.dma_semaphore, #tpu.memory_space<semaphore_mem>>
      %dma_start3A = arith.constant 0 : i32
      %dma_start3A_20 = tpu.memref_slice %arg7[%arg0, %mul3A_2, %dma_start3A] : memref<2x10240x128xf32, #tpu.memory_space<hbm>> -> memref<1x640x128xf32, #tpu.memory_space<hbm>>
      %dma_start3A_21 = tpu.memref_squeeze %dma_start3A_20 : memref<1x640x128xf32, #tpu.memory_space<hbm>> -> memref<640x128xf32, #tpu.memory_space<hbm>>
      %dma_start3A_22 = arith.constant 0 : i32
      %dma_start3A_23 = tpu.memref_slice %arg14[%mul3A_2, %dma_start3A_22] : memref<10240x128xf32, #tpu.memory_space<vmem_shared>> -> memref<640x128xf32, #tpu.memory_space<vmem_shared>>
      tpu.enqueue_dma source(%dma_start3A_23 : memref<640x128xf32, #tpu.memory_space<vmem_shared>>) target(%dma_start3A_21 : memref<640x128xf32, #tpu.memory_space<hbm>>) target_semaphore(%run_scoped3A : memref<!tpu.dma_semaphore, #tpu.memory_space<semaphore_mem>>)
      %dma_wait3A = arith.constant 0 : i32
      %dma_wait3A_24 = tpu.memref_slice %arg7[%arg0, %mul3A_2, %dma_wait3A] : memref<2x10240x128xf32, #tpu.memory_space<hbm>> -> memref<1x640x128xf32, #tpu.memory_space<hbm>>
      %dma_wait3A_25 = tpu.memref_squeeze %dma_wait3A_24 : memref<1x640x128xf32, #tpu.memory_space<hbm>> -> memref<640x128xf32, #tpu.memory_space<hbm>>
      %dma_wait3A_26 = arith.constant 0 : i32
      %dma_wait3A_27 = tpu.memref_slice %arg14[%mul3A_2, %dma_wait3A_26] : memref<10240x128xf32, #tpu.memory_space<vmem_shared>> -> memref<640x128xf32, #tpu.memory_space<vmem_shared>>
      tpu.wait_dma2 semaphore(%run_scoped3A : memref<!tpu.dma_semaphore, #tpu.memory_space<semaphore_mem>>) src(%dma_wait3A_27 : memref<640x128xf32, #tpu.memory_space<vmem_shared>>) dst(%dma_wait3A_25 : memref<640x128xf32, #tpu.memory_space<hbm>>)
      tpu.yield
    }) : () -> ()
    "tpu.region"() ({
      %run_scoped3A = tpu.sem_alloc : memref<!tpu.dma_semaphore, #tpu.memory_space<semaphore_mem>>
      %dma_start3A = tpu.memref_slice %arg8[%arg0, %mul3A_2] : memref<2x10240xf32, #tpu.memory_space<hbm>> -> memref<1x640xf32, #tpu.memory_space<hbm>>
      %dma_start3A_20 = tpu.memref_squeeze %dma_start3A : memref<1x640xf32, #tpu.memory_space<hbm>> -> memref<640xf32, #tpu.memory_space<hbm>>
      %dma_start3A_21 = tpu.memref_slice %arg15[%mul3A_2] : memref<10240xf32, #tpu.memory_space<vmem_shared>> -> memref<640xf32, #tpu.memory_space<vmem_shared>>
      tpu.enqueue_dma source(%dma_start3A_21 : memref<640xf32, #tpu.memory_space<vmem_shared>>) target(%dma_start3A_20 : memref<640xf32, #tpu.memory_space<hbm>>) target_semaphore(%run_scoped3A : memref<!tpu.dma_semaphore, #tpu.memory_space<semaphore_mem>>)
      %dma_wait3A = tpu.memref_slice %arg8[%arg0, %mul3A_2] : memref<2x10240xf32, #tpu.memory_space<hbm>> -> memref<1x640xf32, #tpu.memory_space<hbm>>
      %dma_wait3A_22 = tpu.memref_squeeze %dma_wait3A : memref<1x640xf32, #tpu.memory_space<hbm>> -> memref<640xf32, #tpu.memory_space<hbm>>
      %dma_wait3A_23 = tpu.memref_slice %arg15[%mul3A_2] : memref<10240xf32, #tpu.memory_space<vmem_shared>> -> memref<640xf32, #tpu.memory_space<vmem_shared>>
      tpu.wait_dma2 semaphore(%run_scoped3A : memref<!tpu.dma_semaphore, #tpu.memory_space<semaphore_mem>>) src(%dma_wait3A_23 : memref<640xf32, #tpu.memory_space<vmem_shared>>) dst(%dma_wait3A_22 : memref<640xf32, #tpu.memory_space<hbm>>)
      tpu.yield
    }) : () -> ()
    return
  }
}

</mosaic_0001>

<sc_bundles>
// kernel: _sc_agg.3.cloned.1.call-start
scs
__scs_entry_jumppad:
0x0: {  	(pc) =	sbr.rel $0x88, $3  }
0x1: {  	(tag) =	ssettag $0x0;
	lr =	simm.s32 $0x1  }
0x2: {  	[smem:$0x3F9C] =	sst lr;
	_ =	strace $0xD0000000  }
0x3: {  	_ = 	snop  }
0x4: {  	_ = 	snop  }
0x5: {  	_ = 	snop  }
0x6: {  	_ = 	snop  }
0x7: {  	_ = 	snop  }
__scs_overlays_trampoline_lowered:
0x8: {  	[smem:$0x3FAB] =	sst s0  }
0x9: {  	[smem:$0x3FAC] =	sst s1  }
0xa: {  	[smem:$0x3FAD] =	sst s2  }
0xb: {  	[smem:$0x3FAE] =	sst s3  }
0xc: {  	[smem:$0x3FAF] =	sst s4  }
0xd: {  	[smem:$0x3FB0] =	sst s5  }
0xe: {  	[smem:$0x3FB1] =	sst s6  }
0xf: {  	[smem:$0x3FB2] =	sst s7  }
0x10: {  	[smem:$0x3FB3] =	sst s8  }
0x11: {  	[smem:$0x3FB4] =	sst s9;
	s0 =	simm.s32 @!p0 $0x0  }
0x12: {  	s1 =	sld [smem:$0x3F9A];
	s0 =	simm.s32 @p0 $0x1  }
0x13: {  	[smem:$0x3FB5] =	sst s0;
	s0 =	simm.s32 @!p1 $0x0  }
0x14: {  	s2 =	sld [smem:$0x3F99];
	s0 =	simm.s32 @p1 $0x1  }
0x15: {  	[smem:$0x3FB6] =	sst s0;
	s0 =	simm.s32 @!p2 $0x0  }
0x16: {  	s3 =	sld [smem:$0x3FDB];
	s0 =	simm.s32 @p2 $0x1  }
0x17: {  	s4 =	simm.s32 $0x1BF5;
	[smem:$0x3FB8] =	sst s0  }
0x18: {  	s0 =	sld [smem:$0x3F9B];
	_ =	swait.ge [sflag:s4], $0x0  }
0x19: {  	s7 =	sld [smem:$0x3F9C]  }
0x1a: {  	s8 =	sadd.s32 $0xFFFFE003, lr  }
0x1b: {  	s9 =	sadd.s32 $0xFFFFFEF7, lr;
	s5 =	simm.s32 $0xFFFFFFFF;
	p2 =	slt.u32 s8, $0xFFFFF086  }
0x1c: {  	p1 =	slt.u32 s9, $0xF7A;
	s5 =	simm.s32 @!p2 $0x0  }
0x1d: {  	s5 =	simm.s32 @p1 $0x1;
	p0 =	seq.s32 s7, s2  }
0x1e: {  	s7 =	smul.u32 @!p0 $0xF7A, s2;
	p2 =	seq.s32 @!p0 s5, $0x0  }
0x1f: {  	s9 =	smul.u32 $0xF7A, s1;
	s8 =	simm.s32 @!p0 $0x1BF5;
	p2 =	por !p2, p0  }
0x20: {  	[sflag:s8] =	ssyncset.s32 @!p0 $0xFFFFF086;
	s6 =	sadd.s32 @!p0 s3, s7;
	s7 =	simm.s32 @!p0 $0x108  }
0x21: {  	s3 =	sadd.s32 s3, s9;
	s6 =	sadd.s32 @!p0 $0x88, s6;
	s7 =	simm.s32 @p2 $0x1082  }
0x22: {  	[simem:s7], [sflag:s8] =	dma.local @!p0 [hbm:s6], $0xF7A  }
0x23: {  	s9 =	sor.u32 $0xD0000000, s2;
	s6 =	simm.s32 $0x108;
	_ =	swait.ge @!p0 [sflag:s8], $0x0  }
0x24: {  	s3 =	sadd.s32 $0x88, s3;
	s6 =	simm.s32 @!p1 $0x1082;
	[sflag:s4] =	ssyncset.s32 $0xFFFFF086  }
0x25: {  	[simem:s6], [sflag:s4] =	dma.local [hbm:s3], $0xF7A  }
0x26: {  	[smem:$0x3F9C] =	sst s1;
	(tag) =	ssettag s2;
	_ =	strace s9  }
0x27: {  	s1 =	sld [smem:$0x3FAC]  }
0x28: {  	s2 =	sld [smem:$0x3FAD]  }
0x29: {  	s4 =	sld [smem:$0x3FAF]  }
0x2a: {  	p0 =	seq.s32 s5, $0x0;
	s5 =	sld [smem:$0x3FB0]  }
0x2b: {  	s6 =	sld [smem:$0x3FB1]  }
0x2c: {  	s7 =	sld [smem:$0x3FB2]  }
0x2d: {  	s3 =	simm.s32 $0x108;
	s8 =	sld [smem:$0x3FB3]  }
0x2e: {  	s3 =	simm.s32 @!p0 $0x1082;
	s9 =	sld [smem:$0x3FB4]  }
0x2f: {  	lr =	sadd.s32 s0, s3;
	s0 =	sld [smem:$0x3FAB]  }
0x30: {  	s3 =	sld [smem:$0x3FAE]  }
0x31: {  	[smem:$0x3FB7] =	sst s10  }
0x32: {  	s10 =	sld [smem:$0x3FB5];
	_ =	sdelay $0x3  }
0x33: {  	p0 =	seq.s32 s10, $0x1;
	s10 =	sld [smem:$0x3FB7];
	_ =	sdelay $0x3  }
0x34: {  	[smem:$0x3FB7] =	sst s10  }
0x35: {  	s10 =	sld [smem:$0x3FB6];
	_ =	sdelay $0x3  }
0x36: {  	p1 =	seq.s32 s10, $0x1;
	s10 =	sld [smem:$0x3FB7];
	_ =	sdelay $0x3  }
0x37: {  	[smem:$0x3FB7] =	sst s10  }
0x38: {  	s10 =	sld [smem:$0x3FB8]  }
0x39: {  	_ = 	snop;
	(pc) =	sbr.ind lr, $3  }
0x3a: {  	_ = 	snop  }
0x3b: {  	_ = 	snop  }
0x3c: {  	p2 =	seq.s32 s10, $0x1;
	s10 =	sld [smem:$0x3FB7]  }
0x3d: {  	_ =	shalt  }
0x3e: {  	_ =	shalt  }
0x3f: {  	_ =	shalt  }
0x40: {  	_ =	shalt  }
0x41: {  	_ =	shalt  }
0x42: {  	_ =	shalt  }
0x43: {  	_ =	shalt  }
0x44: {  	_ =	shalt  }
0x45: {  	_ =	shalt  }
0x46: {  	_ =	shalt  }
0x47: {  	_ =	shalt  }
0x48: {  	_ =	shalt  }
0x49: {  	_ =	shalt  }
0x4a: {  	_ =	shalt  }
0x4b: {  	_ =	shalt  }
0x4c: {  	_ =	shalt  }
0x4d: {  	_ =	shalt  }
0x4e: {  	_ =	shalt  }
0x4f: {  	_ =	shalt  }
0x50: {  	_ =	shalt  }
0x51: {  	_ =	shalt  }
0x52: {  	_ =	shalt  }
0x53: {  	_ =	shalt  }
0x54: {  	_ =	shalt  }
0x55: {  	_ =	shalt  }
0x56: {  	_ =	shalt  }
0x57: {  	_ =	shalt  }
0x58: {  	_ =	shalt  }
0x59: {  	_ =	shalt  }
0x5a: {  	_ =	shalt  }
0x5b: {  	_ =	shalt  }
0x5c: {  	_ =	shalt  }
0x5d: {  	_ =	shalt  }
0x5e: {  	_ =	shalt  }
0x5f: {  	_ =	shalt  }
0x60: {  	_ =	shalt  }
0x61: {  	_ =	shalt  }
0x62: {  	_ =	shalt  }
0x63: {  	_ =	shalt  }
0x64: {  	_ =	shalt  }
0x65: {  	_ =	shalt  }
0x66: {  	_ =	shalt  }
0x67: {  	_ =	shalt  }
0x68: {  	_ =	shalt  }
0x69: {  	_ =	shalt  }
0x6a: {  	_ =	shalt  }
0x6b: {  	_ =	shalt  }
0x6c: {  	_ =	shalt  }
0x6d: {  	_ =	shalt  }
0x6e: {  	_ =	shalt  }
0x6f: {  	_ =	shalt  }
0x70: {  	_ =	shalt  }
0x71: {  	_ =	shalt  }
0x72: {  	_ =	shalt  }
0x73: {  	_ =	shalt  }
0x74: {  	_ =	shalt  }
0x75: {  	_ =	shalt  }
0x76: {  	_ =	shalt  }
0x77: {  	_ =	shalt  }
0x78: {  	_ =	shalt  }
0x79: {  	_ =	shalt  }
0x7a: {  	_ =	shalt  }
0x7b: {  	_ =	shalt  }
0x7c: {  	_ =	shalt  }
0x7d: {  	_ =	shalt  }
0x7e: {  	_ =	shalt  }
0x7f: {  	_ =	shalt  }
0x80: {  	_ =	shalt  }
0x81: {  	_ =	shalt  }
0x82: {  	_ =	shalt  }
0x83: {  	_ =	shalt  }
0x84: {  	_ =	shalt  }
0x85: {  	_ =	shalt  }
0x86: {  	_ =	shalt  }
0x87: {  	_ =	shalt  }
.Lfunc_end0:
.L_simem_size_0:
called_computation_lowered:
.L_overlay_start_0:
0x88: {  	s2 =	sld [smem:$0x3FD9]  }
0x89: {  	s3 =	sld [smem:$0x3FFE];
	_ =	sdelay $0x1  }
0x8a: {  	s1 =	srdreg.scid  }
0x8b: {  	s0 =	sand.u32 $0x1, s1  }
0x8c: {  	s14 =	sshll.u32 s0, $0xA;
	s2 =	sadd.s32 s3, s2  }
0x8d: {  	s2 =	sadd.s32 s2, s14  }
0x8e: {  	[smem:$0x3FC3] =	sst s2  }
0x8f: {  	_ = 	snop  }
0x90: {  	s2 =	sld [smem:$0x3FD0]  }
0x91: {  	s15 =	sld [smem:$0x3FC9]  }
0x92: {  	s4 =	sld [smem:$0x3FC6]  }
0x93: {  	s6 =	simm.s32 $0xA;
	s7 =	simm.s32 $0x10;
	s5 =	sld [smem:$0x3FC5]  }
0x94: {  	[smem:s7], [sflag:s6] =	dma.local [hbm:s2], $0x1  }
0x95: {  	_ =	swait.eq [sflag:s6], $0x1  }
0x96: {  	[sflag:s6] =	ssyncset.done $0x0  }
0x97: {  	s16 =	sld [smem:$0x10];
	[sflag:s6] =	ssyncadd.s32 $0xFFFFFFFF  }
0x98: {  	s17 =	sld [smem:$0x11];
	(tm) =	ssettm $0x1  }
0x99: {  	s18 =	sld [smem:$0x3FFB];
	_ =	sdelay $0x3  }
0x9a: {  	_ =	strace s18  }
0x9b: {  	s7 =	sld [smem:$0x3FFC];
	_ =	sdelay $0x3  }
0x9c: {  	_ =	strace s7  }
0x9d: {  	s7 =	sld [smem:$0x3FFD];
	_ =	sdelay $0x3  }
0x9e: {  	_ =	strace s7  }
0x9f: {  	_ =	strace $0x8FFFFFFF  }
0xa0: {  	s19 =	sld [smem:$0x3FDB];
	_ =	sdelay $0x1  }
0xa1: {  	s8 =	simm.s32 $_scs_section_size  }
0xa2: {  	s9 =	simm.s32 $_size__tile_overlayer_lowered;
	s10 =	simm.s32 $_tile_overlayer_lowered  }
0xa3: {  	s22 =	simm.s32 $0x1BFF;
	s21 =	sshll.u32 s10, $0x1;
	s7 =	sadd.s32 s8, s19  }
0xa4: {  	s11 =	simm.s32 $0x0;
	s20 =	sshll.u32 s9, $0x1;
	s9 =	sadd.s32 s21, s7  }
0xa5: {  	[timem:s11], [sflag:s22] =	dma.local [hbm:s9], s20  }
0xa6: {  	_ =	swait.ge [sflag:s22], s20  }
0xa7: {  	s8 =	ssub.s32 $0x0, s20;
	[sflag:s22] =	ssyncset.done $0x0  }
0xa8: {  	[sflag:s22] =	ssyncadd.s32 s8;
	_ =	sdelay $0x1  }
0xa9: {  	s23 =	simm.s32 $0x1B8B  }
0xaa: {  	_ =	swait.ge [sflag:s23], $0x1  }
0xab: {  	[sflag:s23] =	ssyncset.done $0x0  }
0xac: {  	s25 =	simm.s32 $0x1B8E;
	s24 =	sld [smem:$0x3FFE];
	[sflag:s23] =	ssyncadd.s32 $0xFFFFFFFF  }
0xad: {  	s26 =	simm.s32 $execute0_lowered;
	[smem:$0x3FD2] =	sst s25  }
0xae: {  	s9 =	sshll.u32 s26, $0x1;
	_ =	strace $0x80000046;
	[dreg:$0x1] =	wrdreg $0xFFFFFFFF  }
0xaf: {  	s28 =	simm.s32 $_size_execute0_lowered;
	s7 =	sadd.s32 s7, s9;
	[dreg:$0x0] =	wrdreg $0x0  }
0xb0: {  	s9 =	sshll.u32 s28, $0x1;
	[dreg:$0x2] =	wrdreg s7  }
0xb1: {  	[dreg:$0x3] =	wrdreg s9  }
0xb2: {  	[dreg:$0x4] =	wrdreg $0xC0  }
0xb3: {  	_ =	task [dreg:s11], $0x5FFFF  }
0xb4: {  	[dreg:$0x1] =	wrdreg $0xFFFFFFFF  }
0xb5: {  	[dreg:$0x0] =	wrdreg $0x60  }
0xb6: {  	[dreg:$0x2] =	wrdreg s15  }
0xb7: {  	[dreg:$0x3] =	wrdreg s24  }
0xb8: {  	[dreg:$0x4] =	wrdreg s4  }
0xb9: {  	[dreg:$0x5] =	wrdreg s5  }
0xba: {  	[dreg:$0x6] =	wrdreg s16  }
0xbb: {  	[dreg:$0x7] =	wrdreg s17  }
0xbc: {  	[dreg:$0x8] =	wrdreg $0xA0800  }
0xbd: {  	[dreg:$0x9] =	wrdreg $0x1E0800  }
0xbe: {  	[dreg:$0xa] =	wrdreg $0x9  }
0xbf: {  	_ =	task.clear_ibuf [dreg:s11], $0xBFFFF;
	_ =	strace $0x90000046  }
0xc0: {  	s29 =	simm.s32 $0x9;
	_ =	strace $0x80000048  }
0xc1: {  	_ =	swait.ge [sflag:s29], $0x1  }
0xc2: {  	[sflag:s29] =	ssyncadd.s32 $0xFFFFFFFF  }
0xc3: {  	_ =	strace $0x90000048  }
0xc4: {  	_ =	sfence  }
0xc5: {  	s30 =	sld [smem:$0x0];
	_ =	sdelay $0x2  }
0xc6: {  	s31 =	sshll.u32 s1, $0xD;
	s1 =	sshrl.u32 s1, $0x2  }
0xc7: {  	s3 =	sand.u32 $0x4000, s31;
	s1 =	sadd.s32 s1, s30  }
0xc8: {  	s0 =	sor.u32 s3, s0;
	s1 =	sshll.u32 s1, $0x11  }
0xc9: {  	s0 =	sor.u32 s1, s0  }
0xca: {  	s0 =	sadd.s32 $0x8F2B, s0  }
0xcb: {  	[sflag:s0] =	ssyncadd.remote.s32 $0x1  }
0xcc: {  	_ =	sfence.sel $0xFFFF  }
0xcd: {  	[dreg:$0x0] =	wrdreg $0xFFFFFFFF;
	(pc) =	sbr.abs _section_cstart, $3  }
0xce: {  	[dreg:$0x1] =	wrdreg $0xFFFFFFFF  }
0xcf: {  	_ =	task.clear_ibuf [dreg:s11], $0x2FFFF;
	_ =	strace $0x9FFFFFFF  }
0xd0: {  	(tm) =	ssettm $0x7FFFFFFF  }
0xd1: {  	_ =	shalt  }
tec
execute0_lowered:
.L_overlay_start_1:
0x0: {  	(tag) =	ssettag $0x1  }
0x1: {  	s0 =	rddreg [dreg:$0x0]  }
0x2: {  	s6 =	rddreg [dreg:$0x1]  }
0x3: {  	s7 =	rddreg [dreg:$0x2]  }
0x4: {  	s8 =	rddreg [dreg:$0x3]  }
0x5: {  	s12 =	rddreg [dreg:$0x4]  }
0x6: {  	s13 =	rddreg [dreg:$0x5]  }
0x7: {  	s3 =	rddreg [dreg:$0x6];
	s2 =	srdreg.scid  }
0x8: {  	s1 =	stileid.u32;
	s4 =	rddreg [dreg:$0x7];
	s5 =	simm.s32 $0x0  }
0x9: {  	s20 =	simm.s32 $0x1;
	s11 =	sand.u32 $0x1, s2;
	s14 =	smul.u32 $0x50000, s1  }
0xa: {  	s9 =	sshll.u32 s1, $0x1;
	s2 =	rddreg [dreg:$0x8];
	s16 =	smul.u32 $0x14000, s1  }
0xb: {  	[smem:$0x7FF] =	sst s5;
	s22 =	smul.u32 $0x280, s1;
	s25 =	sshll.u32 s1, $0x6  }
0xc: {  	s29 =	smul.u32 $0x500, s1;
	s9 =	sor.u32 s11, s9;
	_ =	strace $0x80000047  }
0xd: {  	s10 =	ssub.s32 $0x2, s11;
	s28 =	smul.u32 $0x140000, s11;
	p0 =	seq.s32 s11, $0x0  }
0xe: {  	s30 =	sshll.u32 s11, $0x7;
	s11 =	simm.s32 $0x44;
	s9 =	smul.u32 $0x600, s9  }
0xf: {  	s21 =	sshrl.u32 s10, $0x1;
	s23 =	sshrl.u32 s14, $0x2;
	s24 =	sshrl.u32 s16, $0x3  }
0x10: {  	s26 =	sshrl.u32 s22, $0x3;
	s19 =	sadd.s32 s22, s4;
	s11 =	simm.s32 @!p0 $0x59  }
0x11: {  	s22 =	simm.s32 $0x20;
	s17 =	ssub.s32 s10, s21;
	s18 =	sadd.s32 s23, s3  }
0x12: {  	s8 =	sadd.s32 s8, s26;
	s14 =	sadd.s32 s16, s28;
	s16 =	simm.s32 $0x2  }
0x13: {  	s21 =	simm.s32 $0xA000;
	s23 =	simm.s32 $0x10;
	s15 =	sadd.s32 s9, s6  }
0x14: {  	s6 =	sadd.s32 s7, s24;
	s7 =	sor.u32 $0x1C02, s25;
	s14 =	sshrl.u32 s14, $0x3  }
0x15: {  	s24 =	simm.s32 $0x0;
	s9 =	sadd.s32 $0x800, s15;
	s10 =	sadd.s32 $0xC800, s15  }
0x16: {  	s15 =	sor.u32 s30, s29;
	s12 =	sadd.s32 s12, s14;
	s14 =	smax.u32 s17, $0x1  }
0x17: {  	s17 =	sshrl.u32 s19, $0x3;
	s19 =	simm.s32 $0x6000;
	s31 =	sshrl.u32 s15, $0x3  }
0x18: {  	v0 =	vimm.f32 $1.000000000e+00;
	s15 =	sshrl.u32 s18, $0x3;
	s18 =	simm.s32 $0x80;
	s13 =	sadd.s32 s13, s31  }
.LBB2_1:
0x19: {  	[spmem:s15], [sflag:s7] =	dma.local [hbm:s6], $0x2800  }
0x1a: {  	_ =	swait.ge [sflag:s16], $0x2800  }
0x1b: {  	[sflag:s16] =	ssyncset.done $0x0  }
0x1c: {  	[sflag:s16] =	ssyncadd.s32 $0xFFFFD800  }
0x1d: {  	[spmem:s17], [sflag:s7] =	dma.local [hbm:s8], $0x50  }
0x1e: {  	_ =	swait.ge [sflag:s16], $0x50  }
0x1f: {  	[sflag:s16] =	ssyncset.done $0x0  }
0x20: {  	[sflag:s16] =	ssyncadd.s32 $0xFFFFFFB0  }
0x21: {  	[tilespmem:s5], [sflag:$0x2] =	stream.linear.gather [hbm4b:s9+s5], $0x2C80, $0x38;
	[tilespmem:$0x1E300] =	vst v63  }
0x22: {  	_ =	swait.ge [sflag:s16], $0x2C80  }
0x23: {  	[sflag:s16] =	ssyncset.done $0x0  }
0x24: {  	s25 =	simm.s32 $0x3000;
	[sflag:s16] =	ssyncadd.s32 $0xFFFFD380  }
0x25: {  	[tilespmem:s25], [sflag:$0x2] =	stream.linear.gather [hbm4b:s10+s5], $0x2C80, $0x38;
	[tilespmem:$0x1E300] =	vst v63  }
0x26: {  	_ =	swait.ge [sflag:s16], $0x2C80  }
0x27: {  	[sflag:s16] =	ssyncset.done $0x0  }
0x28: {  	[sflag:s16] =	ssyncadd.s32 $0xFFFFD380  }
0x29: {  	[tilespmem:$0xA000] =	vst v0  }
0x2a: {  	[tilespmem:$0xA010] =	vst v0  }
0x2b: {  	[tilespmem:$0xA020] =	vst v0  }
0x2c: {  	[tilespmem:$0xA030] =	vst v0  }
0x2d: {  	[tilespmem:$0xA040] =	vst v0  }
0x2e: {  	[tilespmem:$0xA050] =	vst v0  }
0x2f: {  	[tilespmem:$0xA060] =	vst v0  }
0x30: {  	[tilespmem:$0xA070] =	vst v0  }
0x31: {  	[bflag:$0x0] =	sbarrier.arrive $0xFFFF  }
0x32: {  	[tilespmem:s19], [sflag:$0x1] =	stream.indirect.gather [hbm4b:s0+s18], $0x80, s5, s18, $0xb8;
	[tilespmem:$0x1E300] =	vst v63  }
0x33: {  	_ =	swait.ge [sflag:s20], $0x4000  }
0x34: {  	[sflag:s20] =	ssyncset.done $0x0  }
0x35: {  	[sflag:s20] =	ssyncadd.s32 $0xFFFFC000  }
0x36: {  	[spmem:s3] =	stream.indirect.scatter.add.f32 [tilespmem:s19], [sflag:$0x2], $0x80, s25, s18, $0xb8;
	[tilespmem:$0x1E300] =	vst v63  }
0x37: {  	p0 =	sne.s32 s11, $0x1;
	_ =	swait.ge [sflag:s16], $0x4000  }
.Ltmp0:
0x38: {  	[sflag:s16] =	ssyncset.done $0x0;
	(pc) =	sbr.rel @!p0 .LBB2_3-.Ltmp0, $4  }
0x39: {  	[sflag:s16] =	ssyncadd.s32 $0xFFFFC000  }
0x3a: {  	[spmem:s4] =	stream.indirect.scatter.add.f32 [tilespmem:s21], [sflag:$0x2], $0x1, s25, s18, $0xb8;
	[tilespmem:$0x1E300] =	vst v63  }
0x3b: {  	_ =	swait.ge [sflag:s16], $0x80  }
0x3c: {  	s26 =	sadd.s32 $0xFFFFFFFF, s11;
	s28 =	simm.s32 $0x0;
	[sflag:s16] =	ssyncset.done $0x0  }
.LBB2_2:
0x3d: {  	[sflag:s16] =	ssyncadd.s32 $0xFFFFFF80;
	s28 =	sadd.s32 $0x80, s28;
	s25 =	sadd.s32 $0x80, s25  }
0x3e: {  	[tilespmem:s19], [sflag:$0x1] =	stream.indirect.gather [hbm4b:s0+s18], $0x80, s28, s18, $0xb8;
	[tilespmem:$0x1E300] =	vst v63  }
0x3f: {  	p0 =	sne.s32 s26, $0x1;
	s26 =	sadd.s32 $0xFFFFFFFF, s26;
	_ =	swait.ge [sflag:s20], $0x4000  }
0x40: {  	[sflag:s20] =	ssyncset.done $0x0  }
0x41: {  	[sflag:s20] =	ssyncadd.s32 $0xFFFFC000  }
0x42: {  	[spmem:s3] =	stream.indirect.scatter.add.f32 [tilespmem:s19], [sflag:$0x2], $0x80, s25, s18, $0xb8;
	[tilespmem:$0x1E300] =	vst v63  }
0x43: {  	_ =	swait.ge [sflag:s16], $0x4000  }
.Ltmp1:
0x44: {  	[sflag:s16] =	ssyncset.done $0x0;
	(pc) =	sbr.rel @p0 .LBB2_2-.Ltmp1, $4  }
0x45: {  	[sflag:s16] =	ssyncadd.s32 $0xFFFFC000  }
0x46: {  	[spmem:s4] =	stream.indirect.scatter.add.f32 [tilespmem:s21], [sflag:$0x2], $0x1, s25, s18, $0xb8;
	[tilespmem:$0x1E300] =	vst v63  }
0x47: {  	_ =	swait.ge [sflag:s16], $0x80  }
0x48: {  	[sflag:s16] =	ssyncset.done $0x0  }
.LBB2_3:
0x49: {  	[sflag:s16] =	ssyncadd.s32 $0xFFFFFF80  }
0x4a: {  	[bflag:$0x0] =	sbarrier.arrive $0xFFFF  }
0x4b: {  	[hbm:s12], [sflag:s7] =	dma.local [spmem:s15], $0x2800  }
0x4c: {  	s24 =	sadd.s32 $0x1, s24;
	_ =	swait.ge [sflag:s16], $0x2800  }
0x4d: {  	p0 =	sne.s32 s24, s14;
	[sflag:s16] =	ssyncset.done $0x0  }
.Ltmp2:
0x4e: {  	[sflag:s16] =	ssyncadd.s32 $0xFFFFD800;
	(pc) =	sbr.rel @p0 .LBB2_1-.Ltmp2, $4  }
0x4f: {  	[hbm:s13@s22], [sflag:s7] =	dma.strided [spmem:s17@s23], $0x50, s20, $0x10   }
0x50: {  	_ =	swait.ge [sflag:s16], $0x50  }
0x51: {  	[sflag:s16] =	ssyncset.done $0x0  }
0x52: {  	[sflag:s16] =	ssyncadd.s32 $0xFFFFFFB0  }
0x53: {  	_ =	sfence.sel $0x180000  }
0x54: {  	[bflag:$0x0] =	sbarrier.arrive $0xFFFF  }
0x55: {  	p0 =	sne.s32 s1, $0x0;
	_ =	strace $0x90000047  }
0x56: {  	s0 =	sadd.s32 @!p0 $0x100000, s2;
	[bflag:$0x2] =	sbarrier.arrive $0xFFFF  }
0x57: {  	[sflag:s0] =	ssyncadd.tile.s32 @!p0 $0x1;
	_ =	shalt  }
.Lfunc_end2:
_tile_overlayer_lowered:
.L_overlay_start_2:
0x58: {  	(tag) =	ssettag $0x2  }
0x59: {  	s0 =	rddreg [dreg:$0x0];
	s2 =	stileid.u32  }
0x5a: {  	s1 =	rddreg [dreg:$0x1];
	p0 =	sne.s32 s2, $0x0  }
0x5b: {  	s3 =	rddreg [dreg:$0x2];
	[bflag:$0x3] =	sbarrier.arrive $0xFFFF;
	s2 =	simm.s32 @!p0 $0x1C02  }
0x5c: {  	[timem:s3], [sflag:s2] =	dma.local @!p0 [hbm:s0], s1  }
0x5d: {  	s0 =	simm.s32 @!p0 $0x2  }
0x5e: {  	_ =	swait.ge @!p0 [sflag:s0], s1  }
0x5f: {  	s1 =	ssub.s32 @!p0 $0x0, s1;
	[sflag:s0] =	ssyncset.done @!p0 $0x0  }
0x60: {  	[sflag:s0] =	ssyncadd.s32 @!p0 s1  }
0x61: {  	[bflag:$0x3] =	sbarrier.arrive $0xFFFF  }
0x62: {  	_ =	shalt  }

</sc_bundles>
